<compile_context>
chip_gen: v7x
topology: tpu7x:2x2x1
jax: 0.10.2.dev20260603
libtpu: 0.0.44.dev20260713+nightly
codegen_flags: <defaults>
</compile_context>

<pallas_src>
import functools

import jax
import jax.numpy as jnp
from jax import lax
from jax.experimental import pallas as pl
from jax.experimental.pallas import tpu as pltpu
from jax.experimental.pallas import tpu_sc as plsc

_EMB = 64
_HID = 128
_TAGS = 5
_BATCH = 4096
_SEQ = 200
_NW = 32
_RPW = _BATCH // _NW
_C0 = 128
_C1 = _SEQ - _C0


def _pool_sc(x, emb_table):
  mesh = plsc.VectorSubcoreMesh(core_axis_name="c", subcore_axis_name="s",
                                num_cores=2, num_subcores=16)

  @functools.partial(
      pl.kernel,
      out_type=jax.ShapeDtypeStruct((_BATCH, _EMB), jnp.float32),
      mesh=mesh,
      compiler_params=pltpu.CompilerParams(use_tc_tiling_on_sc=False),
      scratch_types=[
          pltpu.VMEM((_RPW, _SEQ), jnp.int32),
          pltpu.VMEM((_SEQ, _EMB), jnp.float32),
          pltpu.VMEM((_SEQ, _EMB), jnp.float32),
          pltpu.VMEM((_RPW, _EMB), jnp.float32),
          pltpu.SemaphoreType.DMA,
          pltpu.SemaphoreType.DMA,
      ],
  )
  def k(x_hbm, tab_hbm, out_hbm, idx_v, rows0, rows1, out_v, sem0, sem1):
    wid = lax.axis_index("s") * 2 + lax.axis_index("c")
    base = wid * _RPW
    pltpu.sync_copy(x_hbm.at[pl.ds(base, _RPW), :], idx_v)

    def start(r, buf, sem):
      pltpu.async_copy(tab_hbm.at[idx_v.at[r, pl.ds(0, _C0)]],
                       buf.at[pl.ds(0, _C0), :], sem)
      pltpu.async_copy(tab_hbm.at[idx_v.at[r, pl.ds(_C0, _C1)]],
                       buf.at[pl.ds(_C0, _C1), :], sem)

    def wait(buf, sem):
      pltpu.make_async_copy(tab_hbm.at[pl.ds(0, _SEQ), :], buf, sem).wait()

    def compute(r, buf):
      def sbody(j, accs):
        a0, a1, a2, a3 = accs
        a0 = a0 + buf[j, pl.ds(0, 16)]
        a1 = a1 + buf[j, pl.ds(16, 16)]
        a2 = a2 + buf[j, pl.ds(32, 16)]
        a3 = a3 + buf[j, pl.ds(48, 16)]
        return (a0, a1, a2, a3)
      z = jnp.zeros((16,), jnp.float32)
      a0, a1, a2, a3 = lax.fori_loop(0, _SEQ, sbody, (z, z, z, z))
      out_v[r, pl.ds(0, 16)] = a0
      out_v[r, pl.ds(16, 16)] = a1
      out_v[r, pl.ds(32, 16)] = a2
      out_v[r, pl.ds(48, 16)] = a3

    start(0, rows0, sem0)

    def body(i, carry):
      r = 2 * i
      start(r + 1, rows1, sem1)
      wait(rows0, sem0)
      compute(r, rows0)
      start(r + 2, rows0, sem0)
      wait(rows1, sem1)
      compute(r + 1, rows1)
      return carry

    lax.fori_loop(0, (_RPW - 2) // 2, body, 0)
    start(_RPW - 1, rows1, sem1)
    wait(rows0, sem0)
    compute(_RPW - 2, rows0)
    wait(rows1, sem1)
    compute(_RPW - 1, rows1)

    pltpu.sync_copy(out_v, out_hbm.at[pl.ds(base, _RPW), :])

  return k(x, emb_table)


def _mlp_body(x_ref, s_ref, w1_ref, b1_ref, w2_ref, b2_ref, wo_ref, bo_ref,
              o_ref):
  cnt = jnp.sum((x_ref[...] != 0).astype(jnp.float32), axis=1, keepdims=True)
  h = s_ref[...] / (cnt + 1e-10)
  z = jnp.dot(h, w1_ref[...], preferred_element_type=jnp.float32)
  z = jnp.maximum(z + b1_ref[...], 0.0)
  z = jnp.dot(z, w2_ref[...], preferred_element_type=jnp.float32)
  z = jnp.maximum(z + b2_ref[...], 0.0)
  o_ref[...] = jnp.dot(z, wo_ref[...], preferred_element_type=jnp.float32) + bo_ref[...]


def _mlp_tc(x, s, W1, b1, W2, b2, Wo, bo):
  return pl.pallas_call(
      _mlp_body,
      out_shape=jax.ShapeDtypeStruct((_BATCH, _TAGS), jnp.float32),
  )(x, s, W1, b1.reshape(1, _HID), W2, b2.reshape(1, _HID), Wo,
    bo.reshape(1, _TAGS))


@jax.jit
def kernel(x, emb_table, W1, b1, W2, b2, Wo, bo):
  s = _pool_sc(x, emb_table)
  return _mlp_tc(x, s, W1, b1, W2, b2, Wo, bo)

# --- scband reference (transcript-rebuilt; emitter-appended) ---
"""Pipeline reference for scband-dan-model-30039001269098 (READ-ONLY COPY).

The authoritative reference and input builder live on the scoring server;
editing this copy changes nothing except your own understanding.
"""

import jax, jax.numpy as jnp
import numpy as np

VOCAB = 1000000
EMB = 64
HID = 128
TAGS = 5
BATCH = 4096
SEQ = 200
PAD_ID = 0


def setup_inputs(seed: int = 0) -> dict:
    key = jax.random.key(seed)
    ks = jax.random.split(key, 8)
    x = jax.random.randint(ks[0], (BATCH, SEQ), 0, VOCAB, dtype=jnp.int64 if jax.config.jax_enable_x64 else jnp.int32).astype(jnp.int32)
    r = 0.08
    emb_table = jax.random.uniform(ks[1], (VOCAB, EMB), minval=-r, maxval=r, dtype=jnp.float32)
    # padding_idx row is zero in nn.Embedding
    emb_table = emb_table.at[PAD_ID].set(0.0)
    W1 = jax.random.uniform(ks[2], (EMB, HID), minval=-r, maxval=r, dtype=jnp.float32)
    b1 = jax.random.uniform(ks[3], (HID,), minval=-r, maxval=r, dtype=jnp.float32)
    W2 = jax.random.uniform(ks[4], (HID, HID), minval=-r, maxval=r, dtype=jnp.float32)
    b2 = jax.random.uniform(ks[5], (HID,), minval=-r, maxval=r, dtype=jnp.float32)
    Wo = jax.random.uniform(ks[6], (HID, TAGS), minval=-r, maxval=r, dtype=jnp.float32)
    bo = jax.random.uniform(ks[7], (TAGS,), minval=-r, maxval=r, dtype=jnp.float32)
    return {"x": x, "emb_table": emb_table, "W1": W1, "b1": b1, "W2": W2, "b2": b2, "Wo": Wo, "bo": bo}


def reference(x, emb_table, W1, b1, W2, b2, Wo, bo):
    # eval mode: word_drop / dropout layers are identity
    embeds = jnp.take(emb_table, x, axis=0)  # [B, S, EMB]
    mask = (x != PAD_ID).astype(jnp.float32)[:, :, None]  # [B, S, 1]
    # pooling_method == 'avg'
    sum_embeds = (embeds * mask).sum(axis=1)  # [B, EMB]
    seq_lengths = mask.sum(axis=1)  # [B, 1]
    h = sum_embeds / (seq_lengths + 1e-10)
    h = jax.nn.relu(h @ W1 + b1)
    h = jax.nn.relu(h @ W2 + b2)
    scores = h @ Wo + bo  # [B, TAGS]
    return scores

if __name__ == "__main__":
    import jax
    _d = setup_inputs()
    print(jax.jit(kernel)(*tuple(_d.values())))

</pallas_src>

<mosaic_0001>
#map = affine_map<(d0, d1) -> (0, 0)>
module attributes {stable_mosaic.version = 14 : i64} {
  func.func @k(%arg0: i32, %arg1: i32, %arg2: memref<4096x200xi32, #tpu.memory_space<hbm>>, %arg3: memref<1000000x64xf32, #tpu.memory_space<hbm>>, %arg4: memref<4096x64xf32, #tpu.memory_space<hbm>>, %arg5: memref<128x200xi32, #tpu.memory_space<vmem>>, %arg6: memref<200x64xf32, #tpu.memory_space<vmem>>, %arg7: memref<200x64xf32, #tpu.memory_space<vmem>>, %arg8: memref<128x64xf32, #tpu.memory_space<vmem>>, %arg9: memref<!tpu.dma_semaphore, #tpu.memory_space<semaphore_mem>>, %arg10: memref<!tpu.dma_semaphore, #tpu.memory_space<semaphore_mem>>) attributes {dimension_semantics = [#tpu.dimension_semantics<core_parallel>, #tpu.dimension_semantics<subcore_parallel>], iteration_bounds = array<i64: 2, 16>, scalar_prefetch = 0 : i64, scratch_operands = 6 : i64, tpu.core_type = #tpu.core_type<sc_vector_subcore>, window_params = [{transform_indices = #map}, {transform_indices = #map}, {transform_indices = #map}]} {
    %mul3A = arith.constant 2 : i32
    %mul3A_0 = arith.muli %arg1, %mul3A : i32
    %add3A = arith.addi %mul3A_0, %arg0 : i32
    %mul3A_1 = arith.constant 128 : i32
    %mul3A_2 = arith.muli %add3A, %mul3A_1 : i32
    "tpu.region"() ({
      %run_scoped3A = tpu.sem_alloc : memref<!tpu.dma_semaphore, #tpu.memory_space<semaphore_mem>>
      %dma_start3A_120 = arith.constant 0 : i32
      %dma_start3A_121 = tpu.memref_slice %arg2[%mul3A_2, %dma_start3A_120] : memref<4096x200xi32, #tpu.memory_space<hbm>> -> memref<128x200xi32, #tpu.memory_space<hbm>>
      %dma_start3A_122 = arith.constant 0 : i32
      %dma_start3A_123 = tpu.memref_slice %arg2[%mul3A_2, %dma_start3A_122] : memref<4096x200xi32, #tpu.memory_space<hbm>> -> memref<128x200xi32, #tpu.memory_space<hbm>>
      tpu.enqueue_dma source(%dma_start3A_123 : memref<128x200xi32, #tpu.memory_space<hbm>>) target(%arg5 : memref<128x200xi32, #tpu.memory_space<vmem>>) target_semaphore(%run_scoped3A : memref<!tpu.dma_semaphore, #tpu.memory_space<semaphore_mem>>)
      %dma_wait3A_124 = arith.constant 0 : i32
      %dma_wait3A_125 = tpu.memref_slice %arg2[%mul3A_2, %dma_wait3A_124] : memref<4096x200xi32, #tpu.memory_space<hbm>> -> memref<128x200xi32, #tpu.memory_space<hbm>>
      %dma_wait3A_126 = arith.constant 0 : i32
      %dma_wait3A_127 = tpu.memref_slice %arg2[%mul3A_2, %dma_wait3A_126] : memref<4096x200xi32, #tpu.memory_space<hbm>> -> memref<128x200xi32, #tpu.memory_space<hbm>>
      tpu.wait_dma2 semaphore(%run_scoped3A : memref<!tpu.dma_semaphore, #tpu.memory_space<semaphore_mem>>) src(%dma_wait3A_127 : memref<128x200xi32, #tpu.memory_space<hbm>>) dst(%arg5 : memref<128x200xi32, #tpu.memory_space<vmem>>)
      tpu.yield
    }) : () -> ()
    %dma_start3A = arith.constant 0 : i32
    %dma_start3A_3 = arith.constant 0 : i32
    %dma_start3A_4 = arith.constant 0 : i32
    %dma_start3A_5 = tpu.memref_slice %arg6[%dma_start3A_3, %dma_start3A_4] : memref<200x64xf32, #tpu.memory_space<vmem>> -> memref<128x64xf32, #tpu.memory_space<vmem>>
    %dma_start3A_6 = arith.constant 0 : i32
    %dma_start3A_7 = tpu.memref_slice %arg5[%dma_start3A, %dma_start3A_6] : memref<128x200xi32, #tpu.memory_space<vmem>> -> memref<1x128xi32, #tpu.memory_space<vmem>>
    %dma_start3A_8 = tpu.memref_squeeze %dma_start3A_7 : memref<1x128xi32, #tpu.memory_space<vmem>> -> memref<128xi32, #tpu.memory_space<vmem>>
    %dma_start3A_9 = arith.constant 0 : i32
    %dma_start3A_10 = arith.constant 0 : i32
    %dma_start3A_11 = tpu.memref_slice %arg3[%dma_start3A_9, %dma_start3A_10] : memref<1000000x64xf32, #tpu.memory_space<hbm>> -> memref<1000000x64xf32, #tpu.memory_space<hbm>>
    tpu.enqueue_indirect_dma source(%dma_start3A_11 : memref<1000000x64xf32, #tpu.memory_space<hbm>>) target(%dma_start3A_5 : memref<128x64xf32, #tpu.memory_space<vmem>>) offsets(%dma_start3A_8 : memref<128xi32, #tpu.memory_space<vmem>>) semaphore(%arg9 : memref<!tpu.dma_semaphore, #tpu.memory_space<semaphore_mem>>)
    %dma_start3A_12 = arith.constant 0 : i32
    %dma_start3A_13 = arith.constant 128 : i32
    %dma_start3A_14 = arith.constant 0 : i32
    %dma_start3A_15 = tpu.memref_slice %arg6[%dma_start3A_13, %dma_start3A_14] : memref<200x64xf32, #tpu.memory_space<vmem>> -> memref<72x64xf32, #tpu.memory_space<vmem>>
    %dma_start3A_16 = arith.constant 128 : i32
    %dma_start3A_17 = tpu.memref_slice %arg5[%dma_start3A_12, %dma_start3A_16] : memref<128x200xi32, #tpu.memory_space<vmem>> -> memref<1x72xi32, #tpu.memory_space<vmem>>
    %dma_start3A_18 = tpu.memref_squeeze %dma_start3A_17 : memref<1x72xi32, #tpu.memory_space<vmem>> -> memref<72xi32, #tpu.memory_space<vmem>>
    %dma_start3A_19 = arith.constant 0 : i32
    %dma_start3A_20 = arith.constant 0 : i32
    %dma_start3A_21 = tpu.memref_slice %arg3[%dma_start3A_19, %dma_start3A_20] : memref<1000000x64xf32, #tpu.memory_space<hbm>> -> memref<1000000x64xf32, #tpu.memory_space<hbm>>
    tpu.enqueue_indirect_dma source(%dma_start3A_21 : memref<1000000x64xf32, #tpu.memory_space<hbm>>) target(%dma_start3A_15 : memref<72x64xf32, #tpu.memory_space<vmem>>) offsets(%dma_start3A_18 : memref<72xi32, #tpu.memory_space<vmem>>) semaphore(%arg9 : memref<!tpu.dma_semaphore, #tpu.memory_space<semaphore_mem>>)
    %scan3A = arith.constant 0 : i32
    %scan3A_22 = arith.constant 0 : i32
    %scan3A_23 = arith.constant 63 : i32
    %scan3A_24 = arith.addi %scan3A_22, %scan3A_23 : i32
    %scan3A_25 = arith.constant 1 : i32
    scf.for %scan3A_120 = %scan3A_22 to %scan3A_24 step %scan3A_25  : i32 {
      %mul3A_121 = arith.constant 2 : i32
      %mul3A_122 = arith.muli %mul3A_121, %scan3A_120 : i32
      %add3A_123 = arith.constant 1 : i32
      %add3A_124 = arith.addi %mul3A_122, %add3A_123 : i32
      %dma_start3A_125 = arith.constant 0 : i32
      %dma_start3A_126 = arith.constant 0 : i32
      %dma_start3A_127 = tpu.memref_slice %arg7[%dma_start3A_125, %dma_start3A_126] : memref<200x64xf32, #tpu.memory_space<vmem>> -> memref<128x64xf32, #tpu.memory_space<vmem>>
      %dma_start3A_128 = arith.constant 0 : i32
      %dma_start3A_129 = tpu.memref_slice %arg5[%add3A_124, %dma_start3A_128] : memref<128x200xi32, #tpu.memory_space<vmem>> -> memref<1x128xi32, #tpu.memory_space<vmem>>
      %dma_start3A_130 = tpu.memref_squeeze %dma_start3A_129 : memref<1x128xi32, #tpu.memory_space<vmem>> -> memref<128xi32, #tpu.memory_space<vmem>>
      %dma_start3A_131 = arith.constant 0 : i32
      %dma_start3A_132 = arith.constant 0 : i32
      %dma_start3A_133 = tpu.memref_slice %arg3[%dma_start3A_131, %dma_start3A_132] : memref<1000000x64xf32, #tpu.memory_space<hbm>> -> memref<1000000x64xf32, #tpu.memory_space<hbm>>
      tpu.enqueue_indirect_dma source(%dma_start3A_133 : memref<1000000x64xf32, #tpu.memory_space<hbm>>) target(%dma_start3A_127 : memref<128x64xf32, #tpu.memory_space<vmem>>) offsets(%dma_start3A_130 : memref<128xi32, #tpu.memory_space<vmem>>) semaphore(%arg10 : memref<!tpu.dma_semaphore, #tpu.memory_space<semaphore_mem>>)
      %dma_start3A_134 = arith.constant 128 : i32
      %dma_start3A_135 = arith.constant 0 : i32
      %dma_start3A_136 = tpu.memref_slice %arg7[%dma_start3A_134, %dma_start3A_135] : memref<200x64xf32, #tpu.memory_space<vmem>> -> memref<72x64xf32, #tpu.memory_space<vmem>>
      %dma_start3A_137 = arith.constant 128 : i32
      %dma_start3A_138 = tpu.memref_slice %arg5[%add3A_124, %dma_start3A_137] : memref<128x200xi32, #tpu.memory_space<vmem>> -> memref<1x72xi32, #tpu.memory_space<vmem>>
      %dma_start3A_139 = tpu.memref_squeeze %dma_start3A_138 : memref<1x72xi32, #tpu.memory_space<vmem>> -> memref<72xi32, #tpu.memory_space<vmem>>
      %dma_start3A_140 = arith.constant 0 : i32
      %dma_start3A_141 = arith.constant 0 : i32
      %dma_start3A_142 = tpu.memref_slice %arg3[%dma_start3A_140, %dma_start3A_141] : memref<1000000x64xf32, #tpu.memory_space<hbm>> -> memref<1000000x64xf32, #tpu.memory_space<hbm>>
      tpu.enqueue_indirect_dma source(%dma_start3A_142 : memref<1000000x64xf32, #tpu.memory_space<hbm>>) target(%dma_start3A_136 : memref<72x64xf32, #tpu.memory_space<vmem>>) offsets(%dma_start3A_139 : memref<72xi32, #tpu.memory_space<vmem>>) semaphore(%arg10 : memref<!tpu.dma_semaphore, #tpu.memory_space<semaphore_mem>>)
      %dma_wait3A_143 = arith.constant 0 : i32
      %dma_wait3A_144 = arith.constant 0 : i32
      %dma_wait3A_145 = tpu.memref_slice %arg3[%dma_wait3A_143, %dma_wait3A_144] : memref<1000000x64xf32, #tpu.memory_space<hbm>> -> memref<200x64xf32, #tpu.memory_space<hbm>>
      %dma_wait3A_146 = arith.constant 0 : i32
      %dma_wait3A_147 = arith.constant 0 : i32
      %dma_wait3A_148 = tpu.memref_slice %arg3[%dma_wait3A_146, %dma_wait3A_147] : memref<1000000x64xf32, #tpu.memory_space<hbm>> -> memref<200x64xf32, #tpu.memory_space<hbm>>
      tpu.wait_dma2 semaphore(%arg9 : memref<!tpu.dma_semaphore, #tpu.memory_space<semaphore_mem>>) src(%dma_wait3A_148 : memref<200x64xf32, #tpu.memory_space<hbm>>) dst(%arg6 : memref<200x64xf32, #tpu.memory_space<vmem>>)
      %broadcast_in_dim3A_149 = arith.constant 0.000000e+00 : f32
      %broadcast_in_dim3A_150 = vector.broadcast %broadcast_in_dim3A_149 : f32 to vector<16xf32>
      %scan3A_151 = arith.constant 0 : i32
      %scan3A_152 = arith.constant 200 : i32
      %scan3A_153 = arith.addi %scan3A_151, %scan3A_152 : i32
      %scan3A_154 = arith.constant 1 : i32
      %scan3A_155:4 = scf.for %scan3A_233 = %scan3A_151 to %scan3A_153 step %scan3A_154 iter_args(%scan3A_234 = %broadcast_in_dim3A_150, %scan3A_235 = %broadcast_in_dim3A_150, %scan3A_236 = %broadcast_in_dim3A_150, %scan3A_237 = %broadcast_in_dim3A_150) -> (vector<16xf32>, vector<16xf32>, vector<16xf32>, vector<16xf32>)  : i32 {
        %get3A = arith.index_cast %scan3A_233 : i32 to index
        %get3A_238 = arith.constant 0 : index
        %get3A_239 = tpu.vector_load %arg6[%get3A, %get3A_238] {strides = array<i32>} : memref<200x64xf32, #tpu.memory_space<vmem>>, vector<1x16xf32>,
        %get3A_240 = vector.shape_cast %get3A_239 : vector<1x16xf32> to vector<16xf32>
        %add3A_241 = arith.addf %scan3A_234, %get3A_240 : vector<16xf32>
        %get3A_242 = arith.index_cast %scan3A_233 : i32 to index
        %get3A_243 = arith.constant 16 : index
        %get3A_244 = tpu.vector_load %arg6[%get3A_242, %get3A_243] {strides = array<i32>} : memref<200x64xf32, #tpu.memory_space<vmem>>, vector<1x16xf32>,
        %get3A_245 = vector.shape_cast %get3A_244 : vector<1x16xf32> to vector<16xf32>
        %add3A_246 = arith.addf %scan3A_235, %get3A_245 : vector<16xf32>
        %get3A_247 = arith.index_cast %scan3A_233 : i32 to index
        %get3A_248 = arith.constant 32 : index
        %get3A_249 = tpu.vector_load %arg6[%get3A_247, %get3A_248] {strides = array<i32>} : memref<200x64xf32, #tpu.memory_space<vmem>>, vector<1x16xf32>,
        %get3A_250 = vector.shape_cast %get3A_249 : vector<1x16xf32> to vector<16xf32>
        %add3A_251 = arith.addf %scan3A_236, %get3A_250 : vector<16xf32>
        %get3A_252 = arith.index_cast %scan3A_233 : i32 to index
        %get3A_253 = arith.constant 48 : index
        %get3A_254 = tpu.vector_load %arg6[%get3A_252, %get3A_253] {strides = array<i32>} : memref<200x64xf32, #tpu.memory_space<vmem>>, vector<1x16xf32>,
        %get3A_255 = vector.shape_cast %get3A_254 : vector<1x16xf32> to vector<16xf32>
        %add3A_256 = arith.addf %scan3A_237, %get3A_255 : vector<16xf32>
        scf.yield %add3A_241, %add3A_246, %add3A_251, %add3A_256 : vector<16xf32>, vector<16xf32>, vector<16xf32>, vector<16xf32>
      }
      %scan3A_156 = arith.constant 200 : i32
      %swap3A_157 = arith.index_cast %mul3A_122 : i32 to index
      %swap3A_158 = arith.constant 0 : index
      %swap3A_159 = tpu.vector_load %arg8[%swap3A_157, %swap3A_158] {strides = array<i32>} : memref<128x64xf32, #tpu.memory_space<vmem>>, vector<1x16xf32>,
      %swap3A_160 = vector.shape_cast %swap3A_159 : vector<1x16xf32> to vector<16xf32>
      %swap3A_161 = vector.shape_cast %scan3A_155#0 : vector<16xf32> to vector<1x16xf32>
      tpu.vector_store %arg8[%swap3A_157, %swap3A_158], %swap3A_161 {strides = array<i32>} : memref<128x64xf32, #tpu.memory_space<vmem>>, vector<1x16xf32>,
      %swap3A_162 = arith.index_cast %mul3A_122 : i32 to index
      %swap3A_163 = arith.constant 16 : index
      %swap3A_164 = tpu.vector_load %arg8[%swap3A_162, %swap3A_163] {strides = array<i32>} : memref<128x64xf32, #tpu.memory_space<vmem>>, vector<1x16xf32>,
      %swap3A_165 = vector.shape_cast %swap3A_164 : vector<1x16xf32> to vector<16xf32>
      %swap3A_166 = vector.shape_cast %scan3A_155#1 : vector<16xf32> to vector<1x16xf32>
      tpu.vector_store %arg8[%swap3A_162, %swap3A_163], %swap3A_166 {strides = array<i32>} : memref<128x64xf32, #tpu.memory_space<vmem>>, vector<1x16xf32>,
      %swap3A_167 = arith.index_cast %mul3A_122 : i32 to index
      %swap3A_168 = arith.constant 32 : index
      %swap3A_169 = tpu.vector_load %arg8[%swap3A_167, %swap3A_168] {strides = array<i32>} : memref<128x64xf32, #tpu.memory_space<vmem>>, vector<1x16xf32>,
      %swap3A_170 = vector.shape_cast %swap3A_169 : vector<1x16xf32> to vector<16xf32>
      %swap3A_171 = vector.shape_cast %scan3A_155#2 : vector<16xf32> to vector<1x16xf32>
      tpu.vector_store %arg8[%swap3A_167, %swap3A_168], %swap3A_171 {strides = array<i32>} : memref<128x64xf32, #tpu.memory_space<vmem>>, vector<1x16xf32>,
      %swap3A_172 = arith.index_cast %mul3A_122 : i32 to index
      %swap3A_173 = arith.constant 48 : index
      %swap3A_174 = tpu.vector_load %arg8[%swap3A_172, %swap3A_173] {strides = array<i32>} : memref<128x64xf32, #tpu.memory_space<vmem>>, vector<1x16xf32>,
      %swap3A_175 = vector.shape_cast %swap3A_174 : vector<1x16xf32> to vector<16xf32>
      %swap3A_176 = vector.shape_cast %scan3A_155#3 : vector<16xf32> to vector<1x16xf32>
      tpu.vector_store %arg8[%swap3A_172, %swap3A_173], %swap3A_176 {strides = array<i32>} : memref<128x64xf32, #tpu.memory_space<vmem>>, vector<1x16xf32>,
      %add3A_177 = arith.constant 2 : i32
      %add3A_178 = arith.addi %mul3A_122, %add3A_177 : i32
      %dma_start3A_179 = arith.constant 0 : i32
      %dma_start3A_180 = arith.constant 0 : i32
      %dma_start3A_181 = tpu.memref_slice %arg6[%dma_start3A_179, %dma_start3A_180] : memref<200x64xf32, #tpu.memory_space<vmem>> -> memref<128x64xf32, #tpu.memory_space<vmem>>
      %dma_start3A_182 = arith.constant 0 : i32
      %dma_start3A_183 = tpu.memref_slice %arg5[%add3A_178, %dma_start3A_182] : memref<128x200xi32, #tpu.memory_space<vmem>> -> memref<1x128xi32, #tpu.memory_space<vmem>>
      %dma_start3A_184 = tpu.memref_squeeze %dma_start3A_183 : memref<1x128xi32, #tpu.memory_space<vmem>> -> memref<128xi32, #tpu.memory_space<vmem>>
      %dma_start3A_185 = arith.constant 0 : i32
      %dma_start3A_186 = arith.constant 0 : i32
      %dma_start3A_187 = tpu.memref_slice %arg3[%dma_start3A_185, %dma_start3A_186] : memref<1000000x64xf32, #tpu.memory_space<hbm>> -> memref<1000000x64xf32, #tpu.memory_space<hbm>>
      tpu.enqueue_indirect_dma source(%dma_start3A_187 : memref<1000000x64xf32, #tpu.memory_space<hbm>>) target(%dma_start3A_181 : memref<128x64xf32, #tpu.memory_space<vmem>>) offsets(%dma_start3A_184 : memref<128xi32, #tpu.memory_space<vmem>>) semaphore(%arg9 : memref<!tpu.dma_semaphore, #tpu.memory_space<semaphore_mem>>)
      %dma_start3A_188 = arith.constant 128 : i32
      %dma_start3A_189 = arith.constant 0 : i32
      %dma_start3A_190 = tpu.memref_slice %arg6[%dma_start3A_188, %dma_start3A_189] : memref<200x64xf32, #tpu.memory_space<vmem>> -> memref<72x64xf32, #tpu.memory_space<vmem>>
      %dma_start3A_191 = arith.constant 128 : i32
      %dma_start3A_192 = tpu.memref_slice %arg5[%add3A_178, %dma_start3A_191] : memref<128x200xi32, #tpu.memory_space<vmem>> -> memref<1x72xi32, #tpu.memory_space<vmem>>
      %dma_start3A_193 = tpu.memref_squeeze %dma_start3A_192 : memref<1x72xi32, #tpu.memory_space<vmem>> -> memref<72xi32, #tpu.memory_space<vmem>>
      %dma_start3A_194 = arith.constant 0 : i32
      %dma_start3A_195 = arith.constant 0 : i32
      %dma_start3A_196 = tpu.memref_slice %arg3[%dma_start3A_194, %dma_start3A_195] : memref<1000000x64xf32, #tpu.memory_space<hbm>> -> memref<1000000x64xf32, #tpu.memory_space<hbm>>
      tpu.enqueue_indirect_dma source(%dma_start3A_196 : memref<1000000x64xf32, #tpu.memory_space<hbm>>) target(%dma_start3A_190 : memref<72x64xf32, #tpu.memory_space<vmem>>) offsets(%dma_start3A_193 : memref<72xi32, #tpu.memory_space<vmem>>) semaphore(%arg9 : memref<!tpu.dma_semaphore, #tpu.memory_space<semaphore_mem>>)
      %dma_wait3A_197 = arith.constant 0 : i32
      %dma_wait3A_198 = arith.constant 0 : i32
      %dma_wait3A_199 = tpu.memref_slice %arg3[%dma_wait3A_197, %dma_wait3A_198] : memref<1000000x64xf32, #tpu.memory_space<hbm>> -> memref<200x64xf32, #tpu.memory_space<hbm>>
      %dma_wait3A_200 = arith.constant 0 : i32
      %dma_wait3A_201 = arith.constant 0 : i32
      %dma_wait3A_202 = tpu.memref_slice %arg3[%dma_wait3A_200, %dma_wait3A_201] : memref<1000000x64xf32, #tpu.memory_space<hbm>> -> memref<200x64xf32, #tpu.memory_space<hbm>>
      tpu.wait_dma2 semaphore(%arg10 : memref<!tpu.dma_semaphore, #tpu.memory_space<semaphore_mem>>) src(%dma_wait3A_202 : memref<200x64xf32, #tpu.memory_space<hbm>>) dst(%arg7 : memref<200x64xf32, #tpu.memory_space<vmem>>)
      %add3A_203 = arith.constant 1 : i32
      %add3A_204 = arith.addi %mul3A_122, %add3A_203 : i32
      %broadcast_in_dim3A_205 = arith.constant 0.000000e+00 : f32
      %broadcast_in_dim3A_206 = vector.broadcast %broadcast_in_dim3A_205 : f32 to vector<16xf32>
      %scan3A_207 = arith.constant 0 : i32
      %scan3A_208 = arith.constant 200 : i32
      %scan3A_209 = arith.addi %scan3A_207, %scan3A_208 : i32
      %scan3A_210 = arith.constant 1 : i32
      %scan3A_211:4 = scf.for %scan3A_233 = %scan3A_207 to %scan3A_209 step %scan3A_210 iter_args(%scan3A_234 = %broadcast_in_dim3A_206, %scan3A_235 = %broadcast_in_dim3A_206, %scan3A_236 = %broadcast_in_dim3A_206, %scan3A_237 = %broadcast_in_dim3A_206) -> (vector<16xf32>, vector<16xf32>, vector<16xf32>, vector<16xf32>)  : i32 {
        %get3A = arith.index_cast %scan3A_233 : i32 to index
        %get3A_238 = arith.constant 0 : index
        %get3A_239 = tpu.vector_load %arg7[%get3A, %get3A_238] {strides = array<i32>} : memref<200x64xf32, #tpu.memory_space<vmem>>, vector<1x16xf32>,
        %get3A_240 = vector.shape_cast %get3A_239 : vector<1x16xf32> to vector<16xf32>
        %add3A_241 = arith.addf %scan3A_234, %get3A_240 : vector<16xf32>
        %get3A_242 = arith.index_cast %scan3A_233 : i32 to index
        %get3A_243 = arith.constant 16 : index
        %get3A_244 = tpu.vector_load %arg7[%get3A_242, %get3A_243] {strides = array<i32>} : memref<200x64xf32, #tpu.memory_space<vmem>>, vector<1x16xf32>,
        %get3A_245 = vector.shape_cast %get3A_244 : vector<1x16xf32> to vector<16xf32>
        %add3A_246 = arith.addf %scan3A_235, %get3A_245 : vector<16xf32>
        %get3A_247 = arith.index_cast %scan3A_233 : i32 to index
        %get3A_248 = arith.constant 32 : index
        %get3A_249 = tpu.vector_load %arg7[%get3A_247, %get3A_248] {strides = array<i32>} : memref<200x64xf32, #tpu.memory_space<vmem>>, vector<1x16xf32>,
        %get3A_250 = vector.shape_cast %get3A_249 : vector<1x16xf32> to vector<16xf32>
        %add3A_251 = arith.addf %scan3A_236, %get3A_250 : vector<16xf32>
        %get3A_252 = arith.index_cast %scan3A_233 : i32 to index
        %get3A_253 = arith.constant 48 : index
        %get3A_254 = tpu.vector_load %arg7[%get3A_252, %get3A_253] {strides = array<i32>} : memref<200x64xf32, #tpu.memory_space<vmem>>, vector<1x16xf32>,
        %get3A_255 = vector.shape_cast %get3A_254 : vector<1x16xf32> to vector<16xf32>
        %add3A_256 = arith.addf %scan3A_237, %get3A_255 : vector<16xf32>
        scf.yield %add3A_241, %add3A_246, %add3A_251, %add3A_256 : vector<16xf32>, vector<16xf32>, vector<16xf32>, vector<16xf32>
      }
      %scan3A_212 = arith.constant 200 : i32
      %swap3A_213 = arith.index_cast %add3A_204 : i32 to index
      %swap3A_214 = arith.constant 0 : index
      %swap3A_215 = tpu.vector_load %arg8[%swap3A_213, %swap3A_214] {strides = array<i32>} : memref<128x64xf32, #tpu.memory_space<vmem>>, vector<1x16xf32>,
      %swap3A_216 = vector.shape_cast %swap3A_215 : vector<1x16xf32> to vector<16xf32>
      %swap3A_217 = vector.shape_cast %scan3A_211#0 : vector<16xf32> to vector<1x16xf32>
      tpu.vector_store %arg8[%swap3A_213, %swap3A_214], %swap3A_217 {strides = array<i32>} : memref<128x64xf32, #tpu.memory_space<vmem>>, vector<1x16xf32>,
      %swap3A_218 = arith.index_cast %add3A_204 : i32 to index
      %swap3A_219 = arith.constant 16 : index
      %swap3A_220 = tpu.vector_load %arg8[%swap3A_218, %swap3A_219] {strides = array<i32>} : memref<128x64xf32, #tpu.memory_space<vmem>>, vector<1x16xf32>,
      %swap3A_221 = vector.shape_cast %swap3A_220 : vector<1x16xf32> to vector<16xf32>
      %swap3A_222 = vector.shape_cast %scan3A_211#1 : vector<16xf32> to vector<1x16xf32>
      tpu.vector_store %arg8[%swap3A_218, %swap3A_219], %swap3A_222 {strides = array<i32>} : memref<128x64xf32, #tpu.memory_space<vmem>>, vector<1x16xf32>,
      %swap3A_223 = arith.index_cast %add3A_204 : i32 to index
      %swap3A_224 = arith.constant 32 : index
      %swap3A_225 = tpu.vector_load %arg8[%swap3A_223, %swap3A_224] {strides = array<i32>} : memref<128x64xf32, #tpu.memory_space<vmem>>, vector<1x16xf32>,
      %swap3A_226 = vector.shape_cast %swap3A_225 : vector<1x16xf32> to vector<16xf32>
      %swap3A_227 = vector.shape_cast %scan3A_211#2 : vector<16xf32> to vector<1x16xf32>
      tpu.vector_store %arg8[%swap3A_223, %swap3A_224], %swap3A_227 {strides = array<i32>} : memref<128x64xf32, #tpu.memory_space<vmem>>, vector<1x16xf32>,
      %swap3A_228 = arith.index_cast %add3A_204 : i32 to index
      %swap3A_229 = arith.constant 48 : index
      %swap3A_230 = tpu.vector_load %arg8[%swap3A_228, %swap3A_229] {strides = array<i32>} : memref<128x64xf32, #tpu.memory_space<vmem>>, vector<1x16xf32>,
      %swap3A_231 = vector.shape_cast %swap3A_230 : vector<1x16xf32> to vector<16xf32>
      %swap3A_232 = vector.shape_cast %scan3A_211#3 : vector<16xf32> to vector<1x16xf32>
      tpu.vector_store %arg8[%swap3A_228, %swap3A_229], %swap3A_232 {strides = array<i32>} : memref<128x64xf32, #tpu.memory_space<vmem>>, vector<1x16xf32>,
    }
    %scan3A_26 = arith.constant 63 : i32
    %dma_start3A_27 = arith.constant 127 : i32
    %dma_start3A_28 = arith.constant 0 : i32
    %dma_start3A_29 = arith.constant 0 : i32
    %dma_start3A_30 = tpu.memref_slice %arg7[%dma_start3A_28, %dma_start3A_29] : memref<200x64xf32, #tpu.memory_space<vmem>> -> memref<128x64xf32, #tpu.memory_space<vmem>>
    %dma_start3A_31 = arith.constant 0 : i32
    %dma_start3A_32 = tpu.memref_slice %arg5[%dma_start3A_27, %dma_start3A_31] : memref<128x200xi32, #tpu.memory_space<vmem>> -> memref<1x128xi32, #tpu.memory_space<vmem>>
    %dma_start3A_33 = tpu.memref_squeeze %dma_start3A_32 : memref<1x128xi32, #tpu.memory_space<vmem>> -> memref<128xi32, #tpu.memory_space<vmem>>
    %dma_start3A_34 = arith.constant 0 : i32
    %dma_start3A_35 = arith.constant 0 : i32
    %dma_start3A_36 = tpu.memref_slice %arg3[%dma_start3A_34, %dma_start3A_35] : memref<1000000x64xf32, #tpu.memory_space<hbm>> -> memref<1000000x64xf32, #tpu.memory_space<hbm>>
    tpu.enqueue_indirect_dma source(%dma_start3A_36 : memref<1000000x64xf32, #tpu.memory_space<hbm>>) target(%dma_start3A_30 : memref<128x64xf32, #tpu.memory_space<vmem>>) offsets(%dma_start3A_33 : memref<128xi32, #tpu.memory_space<vmem>>) semaphore(%arg10 : memref<!tpu.dma_semaphore, #tpu.memory_space<semaphore_mem>>)
    %dma_start3A_37 = arith.constant 127 : i32
    %dma_start3A_38 = arith.constant 128 : i32
    %dma_start3A_39 = arith.constant 0 : i32
    %dma_start3A_40 = tpu.memref_slice %arg7[%dma_start3A_38, %dma_start3A_39] : memref<200x64xf32, #tpu.memory_space<vmem>> -> memref<72x64xf32, #tpu.memory_space<vmem>>
    %dma_start3A_41 = arith.constant 128 : i32
    %dma_start3A_42 = tpu.memref_slice %arg5[%dma_start3A_37, %dma_start3A_41] : memref<128x200xi32, #tpu.memory_space<vmem>> -> memref<1x72xi32, #tpu.memory_space<vmem>>
    %dma_start3A_43 = tpu.memref_squeeze %dma_start3A_42 : memref<1x72xi32, #tpu.memory_space<vmem>> -> memref<72xi32, #tpu.memory_space<vmem>>
    %dma_start3A_44 = arith.constant 0 : i32
    %dma_start3A_45 = arith.constant 0 : i32
    %dma_start3A_46 = tpu.memref_slice %arg3[%dma_start3A_44, %dma_start3A_45] : memref<1000000x64xf32, #tpu.memory_space<hbm>> -> memref<1000000x64xf32, #tpu.memory_space<hbm>>
    tpu.enqueue_indirect_dma source(%dma_start3A_46 : memref<1000000x64xf32, #tpu.memory_space<hbm>>) target(%dma_start3A_40 : memref<72x64xf32, #tpu.memory_space<vmem>>) offsets(%dma_start3A_43 : memref<72xi32, #tpu.memory_space<vmem>>) semaphore(%arg10 : memref<!tpu.dma_semaphore, #tpu.memory_space<semaphore_mem>>)
    %dma_wait3A = arith.constant 0 : i32
    %dma_wait3A_47 = arith.constant 0 : i32
    %dma_wait3A_48 = tpu.memref_slice %arg3[%dma_wait3A, %dma_wait3A_47] : memref<1000000x64xf32, #tpu.memory_space<hbm>> -> memref<200x64xf32, #tpu.memory_space<hbm>>
    %dma_wait3A_49 = arith.constant 0 : i32
    %dma_wait3A_50 = arith.constant 0 : i32
    %dma_wait3A_51 = tpu.memref_slice %arg3[%dma_wait3A_49, %dma_wait3A_50] : memref<1000000x64xf32, #tpu.memory_space<hbm>> -> memref<200x64xf32, #tpu.memory_space<hbm>>
    tpu.wait_dma2 semaphore(%arg9 : memref<!tpu.dma_semaphore, #tpu.memory_space<semaphore_mem>>) src(%dma_wait3A_51 : memref<200x64xf32, #tpu.memory_space<hbm>>) dst(%arg6 : memref<200x64xf32, #tpu.memory_space<vmem>>)
    %broadcast_in_dim3A = arith.constant 0.000000e+00 : f32
    %broadcast_in_dim3A_52 = vector.broadcast %broadcast_in_dim3A : f32 to vector<16xf32>
    %scan3A_53 = arith.constant 0 : i32
    %scan3A_54 = arith.constant 200 : i32
    %scan3A_55 = arith.addi %scan3A_53, %scan3A_54 : i32
    %scan3A_56 = arith.constant 1 : i32
    %scan3A_57:4 = scf.for %scan3A_120 = %scan3A_53 to %scan3A_55 step %scan3A_56 iter_args(%scan3A_121 = %broadcast_in_dim3A_52, %scan3A_122 = %broadcast_in_dim3A_52, %scan3A_123 = %broadcast_in_dim3A_52, %scan3A_124 = %broadcast_in_dim3A_52) -> (vector<16xf32>, vector<16xf32>, vector<16xf32>, vector<16xf32>)  : i32 {
      %get3A = arith.index_cast %scan3A_120 : i32 to index
      %get3A_125 = arith.constant 0 : index
      %get3A_126 = tpu.vector_load %arg6[%get3A, %get3A_125] {strides = array<i32>} : memref<200x64xf32, #tpu.memory_space<vmem>>, vector<1x16xf32>,
      %get3A_127 = vector.shape_cast %get3A_126 : vector<1x16xf32> to vector<16xf32>
      %add3A_128 = arith.addf %scan3A_121, %get3A_127 : vector<16xf32>
      %get3A_129 = arith.index_cast %scan3A_120 : i32 to index
      %get3A_130 = arith.constant 16 : index
      %get3A_131 = tpu.vector_load %arg6[%get3A_129, %get3A_130] {strides = array<i32>} : memref<200x64xf32, #tpu.memory_space<vmem>>, vector<1x16xf32>,
      %get3A_132 = vector.shape_cast %get3A_131 : vector<1x16xf32> to vector<16xf32>
      %add3A_133 = arith.addf %scan3A_122, %get3A_132 : vector<16xf32>
      %get3A_134 = arith.index_cast %scan3A_120 : i32 to index
      %get3A_135 = arith.constant 32 : index
      %get3A_136 = tpu.vector_load %arg6[%get3A_134, %get3A_135] {strides = array<i32>} : memref<200x64xf32, #tpu.memory_space<vmem>>, vector<1x16xf32>,
      %get3A_137 = vector.shape_cast %get3A_136 : vector<1x16xf32> to vector<16xf32>
      %add3A_138 = arith.addf %scan3A_123, %get3A_137 : vector<16xf32>
      %get3A_139 = arith.index_cast %scan3A_120 : i32 to index
      %get3A_140 = arith.constant 48 : index
      %get3A_141 = tpu.vector_load %arg6[%get3A_139, %get3A_140] {strides = array<i32>} : memref<200x64xf32, #tpu.memory_space<vmem>>, vector<1x16xf32>,
      %get3A_142 = vector.shape_cast %get3A_141 : vector<1x16xf32> to vector<16xf32>
      %add3A_143 = arith.addf %scan3A_124, %get3A_142 : vector<16xf32>
      scf.yield %add3A_128, %add3A_133, %add3A_138, %add3A_143 : vector<16xf32>, vector<16xf32>, vector<16xf32>, vector<16xf32>
    }
    %scan3A_58 = arith.constant 200 : i32
    %swap3A = arith.constant 126 : i32
    %swap3A_59 = arith.index_cast %swap3A : i32 to index
    %swap3A_60 = arith.constant 0 : index
    %swap3A_61 = tpu.vector_load %arg8[%swap3A_59, %swap3A_60] {strides = array<i32>} : memref<128x64xf32, #tpu.memory_space<vmem>>, vector<1x16xf32>,
    %swap3A_62 = vector.shape_cast %swap3A_61 : vector<1x16xf32> to vector<16xf32>
    %swap3A_63 = vector.shape_cast %scan3A_57#0 : vector<16xf32> to vector<1x16xf32>
    tpu.vector_store %arg8[%swap3A_59, %swap3A_60], %swap3A_63 {strides = array<i32>} : memref<128x64xf32, #tpu.memory_space<vmem>>, vector<1x16xf32>,
    %swap3A_64 = arith.constant 126 : i32
    %swap3A_65 = arith.index_cast %swap3A_64 : i32 to index
    %swap3A_66 = arith.constant 16 : index
    %swap3A_67 = tpu.vector_load %arg8[%swap3A_65, %swap3A_66] {strides = array<i32>} : memref<128x64xf32, #tpu.memory_space<vmem>>, vector<1x16xf32>,
    %swap3A_68 = vector.shape_cast %swap3A_67 : vector<1x16xf32> to vector<16xf32>
    %swap3A_69 = vector.shape_cast %scan3A_57#1 : vector<16xf32> to vector<1x16xf32>
    tpu.vector_store %arg8[%swap3A_65, %swap3A_66], %swap3A_69 {strides = array<i32>} : memref<128x64xf32, #tpu.memory_space<vmem>>, vector<1x16xf32>,
    %swap3A_70 = arith.constant 126 : i32
    %swap3A_71 = arith.index_cast %swap3A_70 : i32 to index
    %swap3A_72 = arith.constant 32 : index
    %swap3A_73 = tpu.vector_load %arg8[%swap3A_71, %swap3A_72] {strides = array<i32>} : memref<128x64xf32, #tpu.memory_space<vmem>>, vector<1x16xf32>,
    %swap3A_74 = vector.shape_cast %swap3A_73 : vector<1x16xf32> to vector<16xf32>
    %swap3A_75 = vector.shape_cast %scan3A_57#2 : vector<16xf32> to vector<1x16xf32>
    tpu.vector_store %arg8[%swap3A_71, %swap3A_72], %swap3A_75 {strides = array<i32>} : memref<128x64xf32, #tpu.memory_space<vmem>>, vector<1x16xf32>,
    %swap3A_76 = arith.constant 126 : i32
    %swap3A_77 = arith.index_cast %swap3A_76 : i32 to index
    %swap3A_78 = arith.constant 48 : index
    %swap3A_79 = tpu.vector_load %arg8[%swap3A_77, %swap3A_78] {strides = array<i32>} : memref<128x64xf32, #tpu.memory_space<vmem>>, vector<1x16xf32>,
    %swap3A_80 = vector.shape_cast %swap3A_79 : vector<1x16xf32> to vector<16xf32>
    %swap3A_81 = vector.shape_cast %scan3A_57#3 : vector<16xf32> to vector<1x16xf32>
    tpu.vector_store %arg8[%swap3A_77, %swap3A_78], %swap3A_81 {strides = array<i32>} : memref<128x64xf32, #tpu.memory_space<vmem>>, vector<1x16xf32>,
    %dma_wait3A_82 = arith.constant 0 : i32
    %dma_wait3A_83 = arith.constant 0 : i32
    %dma_wait3A_84 = tpu.memref_slice %arg3[%dma_wait3A_82, %dma_wait3A_83] : memref<1000000x64xf32, #tpu.memory_space<hbm>> -> memref<200x64xf32, #tpu.memory_space<hbm>>
    %dma_wait3A_85 = arith.constant 0 : i32
    %dma_wait3A_86 = arith.constant 0 : i32
    %dma_wait3A_87 = tpu.memref_slice %arg3[%dma_wait3A_85, %dma_wait3A_86] : memref<1000000x64xf32, #tpu.memory_space<hbm>> -> memref<200x64xf32, #tpu.memory_space<hbm>>
    tpu.wait_dma2 semaphore(%arg10 : memref<!tpu.dma_semaphore, #tpu.memory_space<semaphore_mem>>) src(%dma_wait3A_87 : memref<200x64xf32, #tpu.memory_space<hbm>>) dst(%arg7 : memref<200x64xf32, #tpu.memory_space<vmem>>)
    %broadcast_in_dim3A_88 = arith.constant 0.000000e+00 : f32
    %broadcast_in_dim3A_89 = vector.broadcast %broadcast_in_dim3A_88 : f32 to vector<16xf32>
    %scan3A_90 = arith.constant 0 : i32
    %scan3A_91 = arith.constant 200 : i32
    %scan3A_92 = arith.addi %scan3A_90, %scan3A_91 : i32
    %scan3A_93 = arith.constant 1 : i32
    %scan3A_94:4 = scf.for %scan3A_120 = %scan3A_90 to %scan3A_92 step %scan3A_93 iter_args(%scan3A_121 = %broadcast_in_dim3A_89, %scan3A_122 = %broadcast_in_dim3A_89, %scan3A_123 = %broadcast_in_dim3A_89, %scan3A_124 = %broadcast_in_dim3A_89) -> (vector<16xf32>, vector<16xf32>, vector<16xf32>, vector<16xf32>)  : i32 {
      %get3A = arith.index_cast %scan3A_120 : i32 to index
      %get3A_125 = arith.constant 0 : index
      %get3A_126 = tpu.vector_load %arg7[%get3A, %get3A_125] {strides = array<i32>} : memref<200x64xf32, #tpu.memory_space<vmem>>, vector<1x16xf32>,
      %get3A_127 = vector.shape_cast %get3A_126 : vector<1x16xf32> to vector<16xf32>
      %add3A_128 = arith.addf %scan3A_121, %get3A_127 : vector<16xf32>
      %get3A_129 = arith.index_cast %scan3A_120 : i32 to index
      %get3A_130 = arith.constant 16 : index
      %get3A_131 = tpu.vector_load %arg7[%get3A_129, %get3A_130] {strides = array<i32>} : memref<200x64xf32, #tpu.memory_space<vmem>>, vector<1x16xf32>,
      %get3A_132 = vector.shape_cast %get3A_131 : vector<1x16xf32> to vector<16xf32>
      %add3A_133 = arith.addf %scan3A_122, %get3A_132 : vector<16xf32>
      %get3A_134 = arith.index_cast %scan3A_120 : i32 to index
      %get3A_135 = arith.constant 32 : index
      %get3A_136 = tpu.vector_load %arg7[%get3A_134, %get3A_135] {strides = array<i32>} : memref<200x64xf32, #tpu.memory_space<vmem>>, vector<1x16xf32>,
      %get3A_137 = vector.shape_cast %get3A_136 : vector<1x16xf32> to vector<16xf32>
      %add3A_138 = arith.addf %scan3A_123, %get3A_137 : vector<16xf32>
      %get3A_139 = arith.index_cast %scan3A_120 : i32 to index
      %get3A_140 = arith.constant 48 : index
      %get3A_141 = tpu.vector_load %arg7[%get3A_139, %get3A_140] {strides = array<i32>} : memref<200x64xf32, #tpu.memory_space<vmem>>, vector<1x16xf32>,
      %get3A_142 = vector.shape_cast %get3A_141 : vector<1x16xf32> to vector<16xf32>
      %add3A_143 = arith.addf %scan3A_124, %get3A_142 : vector<16xf32>
      scf.yield %add3A_128, %add3A_133, %add3A_138, %add3A_143 : vector<16xf32>, vector<16xf32>, vector<16xf32>, vector<16xf32>
    }
    %scan3A_95 = arith.constant 200 : i32
    %swap3A_96 = arith.constant 127 : i32
    %swap3A_97 = arith.index_cast %swap3A_96 : i32 to index
    %swap3A_98 = arith.constant 0 : index
    %swap3A_99 = tpu.vector_load %arg8[%swap3A_97, %swap3A_98] {strides = array<i32>} : memref<128x64xf32, #tpu.memory_space<vmem>>, vector<1x16xf32>,
    %swap3A_100 = vector.shape_cast %swap3A_99 : vector<1x16xf32> to vector<16xf32>
    %swap3A_101 = vector.shape_cast %scan3A_94#0 : vector<16xf32> to vector<1x16xf32>
    tpu.vector_store %arg8[%swap3A_97, %swap3A_98], %swap3A_101 {strides = array<i32>} : memref<128x64xf32, #tpu.memory_space<vmem>>, vector<1x16xf32>,
    %swap3A_102 = arith.constant 127 : i32
    %swap3A_103 = arith.index_cast %swap3A_102 : i32 to index
    %swap3A_104 = arith.constant 16 : index
    %swap3A_105 = tpu.vector_load %arg8[%swap3A_103, %swap3A_104] {strides = array<i32>} : memref<128x64xf32, #tpu.memory_space<vmem>>, vector<1x16xf32>,
    %swap3A_106 = vector.shape_cast %swap3A_105 : vector<1x16xf32> to vector<16xf32>
    %swap3A_107 = vector.shape_cast %scan3A_94#1 : vector<16xf32> to vector<1x16xf32>
    tpu.vector_store %arg8[%swap3A_103, %swap3A_104], %swap3A_107 {strides = array<i32>} : memref<128x64xf32, #tpu.memory_space<vmem>>, vector<1x16xf32>,
    %swap3A_108 = arith.constant 127 : i32
    %swap3A_109 = arith.index_cast %swap3A_108 : i32 to index
    %swap3A_110 = arith.constant 32 : index
    %swap3A_111 = tpu.vector_load %arg8[%swap3A_109, %swap3A_110] {strides = array<i32>} : memref<128x64xf32, #tpu.memory_space<vmem>>, vector<1x16xf32>,
    %swap3A_112 = vector.shape_cast %swap3A_111 : vector<1x16xf32> to vector<16xf32>
    %swap3A_113 = vector.shape_cast %scan3A_94#2 : vector<16xf32> to vector<1x16xf32>
    tpu.vector_store %arg8[%swap3A_109, %swap3A_110], %swap3A_113 {strides = array<i32>} : memref<128x64xf32, #tpu.memory_space<vmem>>, vector<1x16xf32>,
    %swap3A_114 = arith.constant 127 : i32
    %swap3A_115 = arith.index_cast %swap3A_114 : i32 to index
    %swap3A_116 = arith.constant 48 : index
    %swap3A_117 = tpu.vector_load %arg8[%swap3A_115, %swap3A_116] {strides = array<i32>} : memref<128x64xf32, #tpu.memory_space<vmem>>, vector<1x16xf32>,
    %swap3A_118 = vector.shape_cast %swap3A_117 : vector<1x16xf32> to vector<16xf32>
    %swap3A_119 = vector.shape_cast %scan3A_94#3 : vector<16xf32> to vector<1x16xf32>
    tpu.vector_store %arg8[%swap3A_115, %swap3A_116], %swap3A_119 {strides = array<i32>} : memref<128x64xf32, #tpu.memory_space<vmem>>, vector<1x16xf32>,
    "tpu.region"() ({
      %run_scoped3A = tpu.sem_alloc : memref<!tpu.dma_semaphore, #tpu.memory_space<semaphore_mem>>
      %dma_start3A_120 = arith.constant 0 : i32
      %dma_start3A_121 = tpu.memref_slice %arg4[%mul3A_2, %dma_start3A_120] : memref<4096x64xf32, #tpu.memory_space<hbm>> -> memref<128x64xf32, #tpu.memory_space<hbm>>
      %dma_start3A_122 = arith.constant 0 : i32
      %dma_start3A_123 = tpu.memref_slice %arg4[%mul3A_2, %dma_start3A_122] : memref<4096x64xf32, #tpu.memory_space<hbm>> -> memref<128x64xf32, #tpu.memory_space<hbm>>
      tpu.enqueue_dma source(%arg8 : memref<128x64xf32, #tpu.memory_space<vmem>>) target(%dma_start3A_123 : memref<128x64xf32, #tpu.memory_space<hbm>>) target_semaphore(%run_scoped3A : memref<!tpu.dma_semaphore, #tpu.memory_space<semaphore_mem>>)
      %dma_wait3A_124 = arith.constant 0 : i32
      %dma_wait3A_125 = tpu.memref_slice %arg4[%mul3A_2, %dma_wait3A_124] : memref<4096x64xf32, #tpu.memory_space<hbm>> -> memref<128x64xf32, #tpu.memory_space<hbm>>
      %dma_wait3A_126 = arith.constant 0 : i32
      %dma_wait3A_127 = tpu.memref_slice %arg4[%mul3A_2, %dma_wait3A_126] : memref<4096x64xf32, #tpu.memory_space<hbm>> -> memref<128x64xf32, #tpu.memory_space<hbm>>
      tpu.wait_dma2 semaphore(%run_scoped3A : memref<!tpu.dma_semaphore, #tpu.memory_space<semaphore_mem>>) src(%arg8 : memref<128x64xf32, #tpu.memory_space<vmem>>) dst(%dma_wait3A_127 : memref<128x64xf32, #tpu.memory_space<hbm>>)
      tpu.yield
    }) : () -> ()
    return
  }
}

module attributes {stable_mosaic.version = 14 : i64} {
  func.func @_mlp_body(%arg0: memref<4096x200xi32, #tpu.memory_space<vmem>>, %arg1: memref<4096x64xf32, #tpu.memory_space<vmem>>, %arg2: memref<64x128xf32, #tpu.memory_space<vmem>>, %arg3: memref<1x128xf32, #tpu.memory_space<vmem>>, %arg4: memref<128x128xf32, #tpu.memory_space<vmem>>, %arg5: memref<1x128xf32, #tpu.memory_space<vmem>>, %arg6: memref<128x5xf32, #tpu.memory_space<vmem>>, %arg7: memref<1x5xf32, #tpu.memory_space<vmem>>, %arg8: memref<4096x5xf32, #tpu.memory_space<vmem>>) attributes {dimension_semantics = [], scalar_prefetch = 0 : i64, scratch_operands = 0 : i64, tpu.core_type = #tpu.core_type<tc>} {
    %get3A = arith.constant 0 : index
    %get3A_0 = arith.constant 0 : index
    %get3A_1 = vector.load %arg0[%get3A, %get3A_0] : memref<4096x200xi32, #tpu.memory_space<vmem>>, vector<4096x200xi32>
    %ne3A = arith.constant 0 : i32
    %ne3A_2 = vector.broadcast %ne3A : i32 to vector<4096x200xi32>
    %ne3A_3 = arith.cmpi ne, %get3A_1, %ne3A_2 : vector<4096x200xi32>
    %convert_element_type3A = arith.extui %ne3A_3 : vector<4096x200xi1> to vector<4096x200xi32>
    %convert_element_type3A_4 = arith.sitofp %convert_element_type3A : vector<4096x200xi32> to vector<4096x200xf32>
    %reduce_sum3A = arith.constant dense<0.000000e+00> : vector<4096xf32>
    %reduce_sum3A_5 = vector.multi_reduction <add>, %convert_element_type3A_4, %reduce_sum3A [1] : vector<4096x200xf32> to vector<4096xf32>
    %broadcast_in_dim3A = vector.shape_cast %reduce_sum3A_5 : vector<4096xf32> to vector<4096x1xf32>
    %get3A_6 = arith.constant 0 : index
    %get3A_7 = arith.constant 0 : index
    %get3A_8 = vector.load %arg1[%get3A_6, %get3A_7] : memref<4096x64xf32, #tpu.memory_space<vmem>>, vector<4096x64xf32>
    %add3A = arith.constant 1.000000e-10 : f32
    %add3A_9 = vector.broadcast %add3A : f32 to vector<4096x1xf32>
    %add3A_10 = arith.addf %broadcast_in_dim3A, %add3A_9 : vector<4096x1xf32>
    %div3A = vector.broadcast %add3A_10 : vector<4096x1xf32> to vector<4096x64xf32>
    %div3A_11 = arith.divf %get3A_8, %div3A : vector<4096x64xf32>
    %get3A_12 = arith.constant 0 : index
    %get3A_13 = arith.constant 0 : index
    %get3A_14 = vector.load %arg2[%get3A_12, %get3A_13] : memref<64x128xf32, #tpu.memory_space<vmem>>, vector<64x128xf32>
    %dot_general3A = arith.constant dense<0.000000e+00> : vector<4096x128xf32>
    %dot_general3A_15 = tpu.matmul %div3A_11, %get3A_14, %dot_general3A {dimension_numbers = #tpu.dot_dimension_numbers<[1], [0], [0], [1], [0, 0, 1, 1], [], []>, transpose_lhs_hint = false} : vector<4096x64xf32>, vector<64x128xf32>, vector<4096x128xf32> -> vector<4096x128xf32>
    %get3A_16 = arith.constant 0 : index
    %get3A_17 = arith.constant 0 : index
    %get3A_18 = vector.load %arg3[%get3A_16, %get3A_17] : memref<1x128xf32, #tpu.memory_space<vmem>>, vector<1x128xf32>
    %add3A_19 = vector.broadcast %get3A_18 : vector<1x128xf32> to vector<4096x128xf32>
    %add3A_20 = arith.addf %dot_general3A_15, %add3A_19 : vector<4096x128xf32>
    %max3A = arith.constant 0.000000e+00 : f32
    %max3A_21 = vector.broadcast %max3A : f32 to vector<4096x128xf32>
    %max3A_22 = arith.maximumf %add3A_20, %max3A_21 : vector<4096x128xf32>
    %get3A_23 = arith.constant 0 : index
    %get3A_24 = arith.constant 0 : index
    %get3A_25 = vector.load %arg4[%get3A_23, %get3A_24] : memref<128x128xf32, #tpu.memory_space<vmem>>, vector<128x128xf32>
    %dot_general3A_26 = arith.constant dense<0.000000e+00> : vector<4096x128xf32>
    %dot_general3A_27 = tpu.matmul %max3A_22, %get3A_25, %dot_general3A_26 {dimension_numbers = #tpu.dot_dimension_numbers<[1], [0], [0], [1], [0, 0, 1, 1], [], []>, transpose_lhs_hint = false} : vector<4096x128xf32>, vector<128x128xf32>, vector<4096x128xf32> -> vector<4096x128xf32>
    %get3A_28 = arith.constant 0 : index
    %get3A_29 = arith.constant 0 : index
    %get3A_30 = vector.load %arg5[%get3A_28, %get3A_29] : memref<1x128xf32, #tpu.memory_space<vmem>>, vector<1x128xf32>
    %add3A_31 = vector.broadcast %get3A_30 : vector<1x128xf32> to vector<4096x128xf32>
    %add3A_32 = arith.addf %dot_general3A_27, %add3A_31 : vector<4096x128xf32>
    %max3A_33 = arith.constant 0.000000e+00 : f32
    %max3A_34 = vector.broadcast %max3A_33 : f32 to vector<4096x128xf32>
    %max3A_35 = arith.maximumf %add3A_32, %max3A_34 : vector<4096x128xf32>
    %get3A_36 = arith.constant 0 : index
    %get3A_37 = arith.constant 0 : index
    %get3A_38 = vector.load %arg6[%get3A_36, %get3A_37] : memref<128x5xf32, #tpu.memory_space<vmem>>, vector<128x5xf32>
    %dot_general3A_39 = arith.constant dense<0.000000e+00> : vector<4096x5xf32>
    %dot_general3A_40 = tpu.matmul %max3A_35, %get3A_38, %dot_general3A_39 {dimension_numbers = #tpu.dot_dimension_numbers<[1], [0], [0], [1], [0, 0, 1, 1], [], []>, transpose_lhs_hint = false} : vector<4096x128xf32>, vector<128x5xf32>, vector<4096x5xf32> -> vector<4096x5xf32>
    %get3A_41 = arith.constant 0 : index
    %get3A_42 = arith.constant 0 : index
    %get3A_43 = vector.load %arg7[%get3A_41, %get3A_42] : memref<1x5xf32, #tpu.memory_space<vmem>>, vector<1x5xf32>
    %add3A_44 = vector.broadcast %get3A_43 : vector<1x5xf32> to vector<4096x5xf32>
    %add3A_45 = arith.addf %dot_general3A_40, %add3A_44 : vector<4096x5xf32>
    %swap3A = arith.constant 0 : index
    %swap3A_46 = arith.constant 0 : index
    %swap3A_47 = vector.load %arg8[%swap3A, %swap3A_46] : memref<4096x5xf32, #tpu.memory_space<vmem>>, vector<4096x5xf32>
    tpu.vector_store %arg8[%swap3A, %swap3A_46], %add3A_45 {strides = array<i32>} : memref<4096x5xf32, #tpu.memory_space<vmem>>, vector<4096x5xf32>,
    return
  }
}

</mosaic_0001>

<sc_bundles>
// kernel: kernel.4.cloned.1.call-start
scs
__scs_entry_jumppad:
0x0: {  	(pc) =	sbr.rel $0x88, $3  }
0x1: {  	(tag) =	ssettag $0x0;
	lr =	simm.s32 $0x1  }
0x2: {  	[smem:$0x3F99] =	sst lr;
	_ =	strace $0xD0000000  }
0x3: {  	_ = 	snop  }
0x4: {  	_ = 	snop  }
0x5: {  	_ = 	snop  }
0x6: {  	_ = 	snop  }
0x7: {  	_ = 	snop  }
__scs_overlays_trampoline_lowered:
0x8: {  	[smem:$0x3FA8] =	sst s0  }
0x9: {  	[smem:$0x3FA9] =	sst s1  }
0xa: {  	[smem:$0x3FAA] =	sst s2  }
0xb: {  	[smem:$0x3FAB] =	sst s3  }
0xc: {  	[smem:$0x3FAC] =	sst s4  }
0xd: {  	[smem:$0x3FAD] =	sst s5  }
0xe: {  	[smem:$0x3FAE] =	sst s6  }
0xf: {  	[smem:$0x3FAF] =	sst s7  }
0x10: {  	[smem:$0x3FB0] =	sst s8  }
0x11: {  	[smem:$0x3FB1] =	sst s9;
	s0 =	simm.s32 @!p0 $0x0  }
0x12: {  	s1 =	sld [smem:$0x3F97];
	s0 =	simm.s32 @p0 $0x1  }
0x13: {  	[smem:$0x3FB2] =	sst s0;
	s0 =	simm.s32 @!p1 $0x0  }
0x14: {  	s2 =	sld [smem:$0x3F96];
	s0 =	simm.s32 @p1 $0x1  }
0x15: {  	[smem:$0x3FB3] =	sst s0;
	s0 =	simm.s32 @!p2 $0x0  }
0x16: {  	s3 =	sld [smem:$0x3FDB];
	s0 =	simm.s32 @p2 $0x1  }
0x17: {  	s4 =	simm.s32 $0x1BF5;
	[smem:$0x3FB5] =	sst s0  }
0x18: {  	s0 =	sld [smem:$0x3F98];
	_ =	swait.ge [sflag:s4], $0x0  }
0x19: {  	s7 =	sld [smem:$0x3F99]  }
0x1a: {  	s8 =	sadd.s32 $0xFFFFE003, lr  }
0x1b: {  	s9 =	sadd.s32 $0xFFFFFEF7, lr;
	s5 =	simm.s32 $0xFFFFFFFF;
	p2 =	slt.u32 s8, $0xFFFFF086  }
0x1c: {  	p1 =	slt.u32 s9, $0xF7A;
	s5 =	simm.s32 @!p2 $0x0  }
0x1d: {  	s5 =	simm.s32 @p1 $0x1;
	p0 =	seq.s32 s7, s2  }
0x1e: {  	s7 =	smul.u32 @!p0 $0xF7A, s2;
	p2 =	seq.s32 @!p0 s5, $0x0  }
0x1f: {  	s9 =	smul.u32 $0xF7A, s1;
	s8 =	simm.s32 @!p0 $0x1BF5;
	p2 =	por !p2, p0  }
0x20: {  	[sflag:s8] =	ssyncset.s32 @!p0 $0xFFFFF086;
	s6 =	sadd.s32 @!p0 s3, s7;
	s7 =	simm.s32 @!p0 $0x108  }
0x21: {  	s3 =	sadd.s32 s3, s9;
	s6 =	sadd.s32 @!p0 $0x88, s6;
	s7 =	simm.s32 @p2 $0x1082  }
0x22: {  	[simem:s7], [sflag:s8] =	dma.local @!p0 [hbm:s6], $0xF7A  }
0x23: {  	s9 =	sor.u32 $0xD0000000, s2;
	s6 =	simm.s32 $0x108;
	_ =	swait.ge @!p0 [sflag:s8], $0x0  }
0x24: {  	s3 =	sadd.s32 $0x88, s3;
	s6 =	simm.s32 @!p1 $0x1082;
	[sflag:s4] =	ssyncset.s32 $0xFFFFF086  }
0x25: {  	[simem:s6], [sflag:s4] =	dma.local [hbm:s3], $0xF7A  }
0x26: {  	[smem:$0x3F99] =	sst s1;
	(tag) =	ssettag s2;
	_ =	strace s9  }
0x27: {  	s1 =	sld [smem:$0x3FA9]  }
0x28: {  	s2 =	sld [smem:$0x3FAA]  }
0x29: {  	s4 =	sld [smem:$0x3FAC]  }
0x2a: {  	p0 =	seq.s32 s5, $0x0;
	s5 =	sld [smem:$0x3FAD]  }
0x2b: {  	s6 =	sld [smem:$0x3FAE]  }
0x2c: {  	s7 =	sld [smem:$0x3FAF]  }
0x2d: {  	s3 =	simm.s32 $0x108;
	s8 =	sld [smem:$0x3FB0]  }
0x2e: {  	s3 =	simm.s32 @!p0 $0x1082;
	s9 =	sld [smem:$0x3FB1]  }
0x2f: {  	lr =	sadd.s32 s0, s3;
	s0 =	sld [smem:$0x3FA8]  }
0x30: {  	s3 =	sld [smem:$0x3FAB]  }
0x31: {  	[smem:$0x3FB4] =	sst s10  }
0x32: {  	s10 =	sld [smem:$0x3FB2];
	_ =	sdelay $0x3  }
0x33: {  	p0 =	seq.s32 s10, $0x1;
	s10 =	sld [smem:$0x3FB4];
	_ =	sdelay $0x3  }
0x34: {  	[smem:$0x3FB4] =	sst s10  }
0x35: {  	s10 =	sld [smem:$0x3FB3];
	_ =	sdelay $0x3  }
0x36: {  	p1 =	seq.s32 s10, $0x1;
	s10 =	sld [smem:$0x3FB4];
	_ =	sdelay $0x3  }
0x37: {  	[smem:$0x3FB4] =	sst s10  }
0x38: {  	s10 =	sld [smem:$0x3FB5]  }
0x39: {  	_ = 	snop;
	(pc) =	sbr.ind lr, $3  }
0x3a: {  	_ = 	snop  }
0x3b: {  	_ = 	snop  }
0x3c: {  	p2 =	seq.s32 s10, $0x1;
	s10 =	sld [smem:$0x3FB4]  }
0x3d: {  	_ =	shalt  }
0x3e: {  	_ =	shalt  }
0x3f: {  	_ =	shalt  }
0x40: {  	_ =	shalt  }
0x41: {  	_ =	shalt  }
0x42: {  	_ =	shalt  }
0x43: {  	_ =	shalt  }
0x44: {  	_ =	shalt  }
0x45: {  	_ =	shalt  }
0x46: {  	_ =	shalt  }
0x47: {  	_ =	shalt  }
0x48: {  	_ =	shalt  }
0x49: {  	_ =	shalt  }
0x4a: {  	_ =	shalt  }
0x4b: {  	_ =	shalt  }
0x4c: {  	_ =	shalt  }
0x4d: {  	_ =	shalt  }
0x4e: {  	_ =	shalt  }
0x4f: {  	_ =	shalt  }
0x50: {  	_ =	shalt  }
0x51: {  	_ =	shalt  }
0x52: {  	_ =	shalt  }
0x53: {  	_ =	shalt  }
0x54: {  	_ =	shalt  }
0x55: {  	_ =	shalt  }
0x56: {  	_ =	shalt  }
0x57: {  	_ =	shalt  }
0x58: {  	_ =	shalt  }
0x59: {  	_ =	shalt  }
0x5a: {  	_ =	shalt  }
0x5b: {  	_ =	shalt  }
0x5c: {  	_ =	shalt  }
0x5d: {  	_ =	shalt  }
0x5e: {  	_ =	shalt  }
0x5f: {  	_ =	shalt  }
0x60: {  	_ =	shalt  }
0x61: {  	_ =	shalt  }
0x62: {  	_ =	shalt  }
0x63: {  	_ =	shalt  }
0x64: {  	_ =	shalt  }
0x65: {  	_ =	shalt  }
0x66: {  	_ =	shalt  }
0x67: {  	_ =	shalt  }
0x68: {  	_ =	shalt  }
0x69: {  	_ =	shalt  }
0x6a: {  	_ =	shalt  }
0x6b: {  	_ =	shalt  }
0x6c: {  	_ =	shalt  }
0x6d: {  	_ =	shalt  }
0x6e: {  	_ =	shalt  }
0x6f: {  	_ =	shalt  }
0x70: {  	_ =	shalt  }
0x71: {  	_ =	shalt  }
0x72: {  	_ =	shalt  }
0x73: {  	_ =	shalt  }
0x74: {  	_ =	shalt  }
0x75: {  	_ =	shalt  }
0x76: {  	_ =	shalt  }
0x77: {  	_ =	shalt  }
0x78: {  	_ =	shalt  }
0x79: {  	_ =	shalt  }
0x7a: {  	_ =	shalt  }
0x7b: {  	_ =	shalt  }
0x7c: {  	_ =	shalt  }
0x7d: {  	_ =	shalt  }
0x7e: {  	_ =	shalt  }
0x7f: {  	_ =	shalt  }
0x80: {  	_ =	shalt  }
0x81: {  	_ =	shalt  }
0x82: {  	_ =	shalt  }
0x83: {  	_ =	shalt  }
0x84: {  	_ =	shalt  }
0x85: {  	_ =	shalt  }
0x86: {  	_ =	shalt  }
0x87: {  	_ =	shalt  }
.Lfunc_end0:
.L_simem_size_0:
called_computation_lowered:
.L_overlay_start_0:
0x88: {  	s2 =	sld [smem:$0x3FD9]  }
0x89: {  	s3 =	sld [smem:$0x3FFE];
	_ =	sdelay $0x1  }
0x8a: {  	s1 =	srdreg.scid  }
0x8b: {  	s0 =	sand.u32 $0x1, s1  }
0x8c: {  	s16 =	sshll.u32 s0, $0xA;
	s2 =	sadd.s32 s3, s2  }
0x8d: {  	s2 =	sadd.s32 s2, s16  }
0x8e: {  	[smem:$0x3FC0] =	sst s2  }
0x8f: {  	_ = 	snop  }
0x90: {  	(tm) =	ssettm $0x1  }
0x91: {  	s17 =	sld [smem:$0x3FFB];
	_ =	sdelay $0x3  }
0x92: {  	_ =	strace s17  }
0x93: {  	s2 =	sld [smem:$0x3FFC];
	_ =	sdelay $0x3  }
0x94: {  	_ =	strace s2  }
0x95: {  	s2 =	sld [smem:$0x3FFD];
	_ =	sdelay $0x3  }
0x96: {  	_ =	strace s2  }
0x97: {  	_ =	strace $0x8FFFFFFF  }
0x98: {  	s18 =	sld [smem:$0x3FDB];
	_ =	sdelay $0x1  }
0x99: {  	s19 =	simm.s32 $_scs_section_size  }
0x9a: {  	s4 =	simm.s32 $_size__tile_overlayer_lowered;
	s5 =	simm.s32 $_tile_overlayer_lowered  }
0x9b: {  	s22 =	simm.s32 $0x1BFF;
	s21 =	sshll.u32 s5, $0x1;
	s2 =	sadd.s32 s19, s18  }
0x9c: {  	s6 =	simm.s32 $0x0;
	s20 =	sshll.u32 s4, $0x1;
	s4 =	sadd.s32 s21, s2  }
0x9d: {  	[timem:s6], [sflag:s22] =	dma.local [hbm:s4], s20  }
0x9e: {  	_ =	swait.ge [sflag:s22], s20  }
0x9f: {  	s3 =	ssub.s32 $0x0, s20;
	[sflag:s22] =	ssyncset.done $0x0  }
0xa0: {  	[sflag:s22] =	ssyncadd.s32 s3;
	_ =	sdelay $0x1  }
0xa1: {  	s23 =	simm.s32 $0x1B8B  }
0xa2: {  	_ =	swait.ge [sflag:s23], $0x1  }
0xa3: {  	[sflag:s23] =	ssyncset.done $0x0  }
0xa4: {  	s25 =	simm.s32 $0x1B8E;
	s24 =	sld [smem:$0x3FFE];
	[sflag:s23] =	ssyncadd.s32 $0xFFFFFFFF  }
0xa5: {  	s26 =	simm.s32 $execute0_lowered;
	[smem:$0x3FD2] =	sst s25  }
0xa6: {  	s4 =	sshll.u32 s26, $0x1;
	_ =	strace $0x80000046;
	[dreg:$0x1] =	wrdreg $0xFFFFFFFF  }
0xa7: {  	s28 =	simm.s32 $_size_execute0_lowered;
	s2 =	sadd.s32 s2, s4;
	[dreg:$0x0] =	wrdreg $0x0  }
0xa8: {  	s4 =	sshll.u32 s28, $0x1;
	[dreg:$0x2] =	wrdreg s2  }
0xa9: {  	[dreg:$0x3] =	wrdreg s4  }
0xaa: {  	[dreg:$0x4] =	wrdreg $0xC0  }
0xab: {  	_ =	task [dreg:s6], $0x5FFFF  }
0xac: {  	[dreg:$0x1] =	wrdreg $0xFFFFFFFF  }
0xad: {  	[dreg:$0x0] =	wrdreg $0x60  }
0xae: {  	[dreg:$0x2] =	wrdreg s24  }
0xaf: {  	[dreg:$0x3] =	wrdreg $0x9  }
0xb0: {  	_ =	task.clear_ibuf [dreg:s6], $0x4FFFF;
	_ =	strace $0x90000046  }
0xb1: {  	s29 =	simm.s32 $0x9;
	_ =	strace $0x80000048  }
0xb2: {  	_ =	swait.ge [sflag:s29], $0x1  }
0xb3: {  	[sflag:s29] =	ssyncadd.s32 $0xFFFFFFFF  }
0xb4: {  	_ =	strace $0x90000048  }
0xb5: {  	_ =	sfence  }
0xb6: {  	s30 =	sld [smem:$0x0];
	_ =	sdelay $0x2  }
0xb7: {  	s31 =	sshll.u32 s1, $0xD;
	s1 =	sshrl.u32 s1, $0x2  }
0xb8: {  	s3 =	sand.u32 $0x4000, s31;
	s1 =	sadd.s32 s1, s30  }
0xb9: {  	s0 =	sor.u32 s3, s0;
	s1 =	sshll.u32 s1, $0x11  }
0xba: {  	s0 =	sor.u32 s1, s0  }
0xbb: {  	s0 =	sadd.s32 $0x8F2B, s0  }
0xbc: {  	[sflag:s0] =	ssyncadd.remote.s32 $0x1  }
0xbd: {  	_ =	sfence.sel $0xFFFF  }
0xbe: {  	[dreg:$0x0] =	wrdreg $0xFFFFFFFF;
	(pc) =	sbr.abs _section_cstart, $3  }
0xbf: {  	[dreg:$0x1] =	wrdreg $0xFFFFFFFF  }
0xc0: {  	_ =	task.clear_ibuf [dreg:s6], $0x2FFFF;
	_ =	strace $0x9FFFFFFF  }
0xc1: {  	(tm) =	ssettm $0x7FFFFFFF  }
tec
execute0_lowered:
.L_overlay_start_1:
0x0: {  	(tag) =	ssettag $0x1  }
0x1: {  	s1 =	srdreg.scid;
	s0 =	stileid.u32  }
0x2: {  	s4 =	rddreg [dreg:$0x0];
	s9 =	simm.s32 $0x6400;
	s10 =	simm.s32 $0x48  }
0x3: {  	s11 =	simm.s32 $0x8400;
	s12 =	simm.s32 $0x9600;
	s13 =	simm.s32 $0xB600  }
0x4: {  	s14 =	simm.s32 $0x1;
	s15 =	simm.s32 $0x2;
	s16 =	simm.s32 $0x6338  }
0x5: {  	s17 =	simm.s32 $0x63B8;
	s18 =	simm.s32 $0xC800;
	s19 =	simm.s32 $0x0  }
0x6: {  	s3 =	sand.u32 $0x1, s1;
	s31 =	sshll.u32 s0, $0x8;
	s1 =	rddreg [dreg:$0x1]  }
0x7: {  	s2 =	sshll.u32 s3, $0x7;
	s7 =	ssub.s32 $0x2, s3;
	s3 =	sadd.s32 $0xF7C800, s4  }
0x8: {  	s5 =	sor.u32 s2, s31;
	s2 =	simm.s32 $0x0;
	s8 =	sshrl.u32 s7, $0x1  }
0x9: {  	s6 =	smul.u32 $0x19, s5;
	[smem:$0x7FF] =	sst s2;
	s5 =	sshll.u32 s5, $0x3  }
0xa: {  	s7 =	ssub.s32 s7, s8;
	s8 =	simm.s32 $0x80;
	s5 =	sadd.s32 s5, s4  }
0xb: {  	_ =	strace $0x80000047;
	s6 =	sadd.s32 s6, s4;
	s5 =	sadd.s32 $0x3A400, s5  }
0xc: {  	s4 =	sadd.s32 $0x21400, s6;
	s6 =	smax.u32 s7, $0x1;
	s7 =	simm.s32 $0x3  }
.LBB2_1:
0xd: {  	[tilespmem:s2], [sflag:$0x3] =	stream.linear.gather [hbm4b:s4+s2], $0x6400, $0x38;
	[tilespmem:$0xE800] =	vst v63  }
0xe: {  	_ =	swait.ge [sflag:s7], $0x6400  }
0xf: {  	[sflag:s7] =	ssyncset.done $0x0  }
0x10: {  	[sflag:s7] =	ssyncadd.s32 $0xFFFF9C00  }
0x11: {  	[tilespmem:s9], [sflag:$0x1] =	stream.indirect.gather [hbm4b:s3+s8], $0x40, s2, s8, $0xb8;
	[tilespmem:$0xE800] =	vst v63  }
0x12: {  	s20 =	simm.s32 $0x0  }
0x13: {  	[tilespmem:s11], [sflag:$0x1] =	stream.indirect.gather [hbm4b:s3+s10], $0x40, s8, s10, $0xb8;
	[tilespmem:$0xE800] =	vst v63  }
.LBB2_2:
0x14: {  	s21 =	sshllo.u32 s20, $0x1  }
0x15: {  	s22 =	smul.u32 $0x320, s21;
	_ =	sdelay $0x1  }
0x16: {  	s22 =	sshra.s32 s22, $0x2  }
0x17: {  	[tilespmem:s12], [sflag:$0x2] =	stream.indirect.gather [hbm4b:s3+s8], $0x40, s22, s8, $0xb8;
	[tilespmem:$0xE800] =	vst v63  }
0x18: {  	s22 =	sadd.s32 $0x80, s22  }
0x19: {  	[tilespmem:s13], [sflag:$0x2] =	stream.indirect.gather [hbm4b:s3+s10], $0x40, s22, s10, $0xb8;
	[tilespmem:$0xE800] =	vst v63  }
0x1a: {  	_ =	swait.ge [sflag:s14], $0x3200  }
0x1b: {  	[sflag:s14] =	ssyncset.done $0x0  }
0x1c: {  	s23 =	simm.s32 $0x0;
	[sflag:s14] =	ssyncadd.s32 $0xFFFFCE00  }
0x1d: {  	v1 =	vld [tilespmem:s23+$0x6430]  }
0x1e: {  	v2 =	vld [tilespmem:s23+$0x6400]  }
0x1f: {  	v0 =	vimm.f32 $0.0e+00;
	v3 =	vld [tilespmem:s23+$0x6410]  }
0x20: {  	v7 =	vimm.f32 $0.0e+00;
	v6 =	vimm.f32 $0.0e+00;
	v5 =	vimm.f32 $0.0e+00;
	s22 =	simm.s32 $0x100;
	v4 =	vld [tilespmem:s23+$0x6420]  }
.LBB2_3:
0x21: {  	p0 =	sne.s32 s22, $0xC700  }
.Ltmp0:
0x22: {  	s23 =	sshra.s32 s22, $0x2;
	s22 =	sadd.s32 $0x100, s22;
	v0 =	vadd.f32 v1, v0;
	(pc) =	sbr.rel @p0 .LBB2_3-.Ltmp0, $4  }
0x23: {  	v1 =	vld [tilespmem:s23+$0x6430];
	v7 =	vadd.f32 v2, v7  }
0x24: {  	v2 =	vld [tilespmem:s23+$0x6400];
	v6 =	vadd.f32 v3, v6  }
0x25: {  	v3 =	vld [tilespmem:s23+$0x6410];
	v5 =	vadd.f32 v4, v5  }
0x26: {  	v4 =	vld [tilespmem:s23+$0x6420]  }
0x27: {  	_ = 	snop  }
0x28: {  	s22 =	sshll.u32 s20, $0x7;
	v0 =	vadd.f32 v1, v0  }
0x29: {  	s22 =	sand.u32 $0x3FFFFF80, s22;
	v2 =	vadd.f32 v2, v7  }
0x2a: {  	s23 =	smul.u32 $0x640, s20;
	v3 =	vadd.f32 v3, v6;
	[tilespmem:s22+$0xC830] =	vst v0  }
0x2b: {  	v4 =	vadd.f32 v4, v5;
	[tilespmem:s22+$0xC800] =	vst v2  }
0x2c: {  	s23 =	sshra.s32 s23, $0x2;
	[tilespmem:s22+$0xC810] =	vst v3  }
0x2d: {  	s29 =	sadd.s32 $0x190, s23;
	[tilespmem:s22+$0xC820] =	vst v4  }
0x2e: {  	[tilespmem:s9], [sflag:$0x1] =	stream.indirect.gather [hbm4b:s3+s8], $0x40, s29, s8, $0xb8;
	[tilespmem:$0xE800] =	vst v63  }
0x2f: {  	s30 =	sadd.s32 $0x210, s23  }
0x30: {  	[tilespmem:s11], [sflag:$0x1] =	stream.indirect.gather [hbm4b:s3+s10], $0x40, s30, s10, $0xb8;
	[tilespmem:$0xE800] =	vst v63  }
0x31: {  	_ =	swait.ge [sflag:s15], $0x3200  }
0x32: {  	[sflag:s15] =	ssyncset.done $0x0  }
0x33: {  	s31 =	simm.s32 $0x0;
	[sflag:s15] =	ssyncadd.s32 $0xFFFFCE00  }
0x34: {  	v1 =	vld [tilespmem:s31+$0x9630]  }
0x35: {  	v2 =	vld [tilespmem:s31+$0x9600]  }
0x36: {  	v7 =	vimm.f32 $0.0e+00;
	v3 =	vld [tilespmem:s31+$0x9610]  }
0x37: {  	v0 =	vimm.f32 $0.0e+00;
	v6 =	vimm.f32 $0.0e+00;
	v5 =	vimm.f32 $0.0e+00;
	s22 =	simm.s32 $0x100;
	v4 =	vld [tilespmem:s31+$0x9620]  }
.LBB2_5:
0x38: {  	p0 =	sne.s32 s22, $0xC700  }
.Ltmp1:
0x39: {  	s23 =	sshra.s32 s22, $0x2;
	s22 =	sadd.s32 $0x100, s22;
	v0 =	vadd.f32 v1, v0;
	(pc) =	sbr.rel @p0 .LBB2_5-.Ltmp1, $4  }
0x3a: {  	v1 =	vld [tilespmem:s23+$0x9630];
	v7 =	vadd.f32 v2, v7  }
0x3b: {  	v2 =	vld [tilespmem:s23+$0x9600];
	v6 =	vadd.f32 v3, v6  }
0x3c: {  	v3 =	vld [tilespmem:s23+$0x9610];
	v5 =	vadd.f32 v4, v5  }
0x3d: {  	v4 =	vld [tilespmem:s23+$0x9620]  }
0x3e: {  	s20 =	sadd.s32 $0x1, s20  }
0x3f: {  	s21 =	sshll.u32 s21, $0x6;
	v0 =	vadd.f32 v1, v0;
	p0 =	sne.s32 s20, $0x3F  }
.Ltmp2:
0x40: {  	s21 =	sand.u32 $0x3FFFFFC0, s21;
	v2 =	vadd.f32 v2, v7;
	(pc) =	sbr.rel @p0 .LBB2_2-.Ltmp2, $4  }
0x41: {  	v3 =	vadd.f32 v3, v6;
	[tilespmem:s21+$0xC830] =	vst v0  }
0x42: {  	v4 =	vadd.f32 v4, v5;
	[tilespmem:s21+$0xC800] =	vst v2  }
0x43: {  	[tilespmem:s21+$0xC810] =	vst v3  }
0x44: {  	[tilespmem:s21+$0xC820] =	vst v4  }
0x45: {  	[tilespmem:s12], [sflag:$0x2] =	stream.indirect.gather [hbm4b:s3+s8], $0x40, s16, s8, $0xb8;
	[tilespmem:$0xE800] =	vst v63  }
0x46: {  	_ = 	snop  }
0x47: {  	[tilespmem:s13], [sflag:$0x2] =	stream.indirect.gather [hbm4b:s3+s10], $0x40, s17, s10, $0xb8;
	[tilespmem:$0xE800] =	vst v63  }
0x48: {  	_ =	swait.ge [sflag:s14], $0x3200  }
0x49: {  	[sflag:s14] =	ssyncset.done $0x0  }
0x4a: {  	s21 =	simm.s32 $0x0;
	[sflag:s14] =	ssyncadd.s32 $0xFFFFCE00  }
0x4b: {  	v1 =	vld [tilespmem:s21+$0x6430]  }
0x4c: {  	v2 =	vld [tilespmem:s21+$0x6400]  }
0x4d: {  	v0 =	vimm.f32 $0.0e+00;
	v3 =	vld [tilespmem:s21+$0x6410]  }
0x4e: {  	s20 =	simm.s32 $0x100;
	v5 =	vimm.f32 $0.0e+00;
	v6 =	vimm.f32 $0.0e+00;
	v7 =	vimm.f32 $0.0e+00;
	v4 =	vld [tilespmem:s21+$0x6420]  }
.LBB2_8:
0x4f: {  	p0 =	sne.s32 s20, $0xC700  }
.Ltmp3:
0x50: {  	s21 =	sshra.s32 s20, $0x2;
	s20 =	sadd.s32 $0x100, s20;
	v0 =	vadd.f32 v1, v0;
	(pc) =	sbr.rel @p0 .LBB2_8-.Ltmp3, $4  }
0x51: {  	v1 =	vld [tilespmem:s21+$0x6430];
	v5 =	vadd.f32 v2, v5  }
0x52: {  	v2 =	vld [tilespmem:s21+$0x6400];
	v6 =	vadd.f32 v3, v6  }
0x53: {  	v3 =	vld [tilespmem:s21+$0x6410];
	v7 =	vadd.f32 v4, v7  }
0x54: {  	v4 =	vld [tilespmem:s21+$0x6420]  }
0x55: {  	_ = 	snop  }
0x56: {  	v0 =	vadd.f32 v1, v0  }
0x57: {  	v2 =	vadd.f32 v2, v5  }
0x58: {  	v3 =	vadd.f32 v3, v6;
	[tilespmem:$0xE7B0] =	vst v0  }
0x59: {  	v4 =	vadd.f32 v4, v7;
	[tilespmem:$0xE780] =	vst v2  }
0x5a: {  	[tilespmem:$0xE790] =	vst v3  }
0x5b: {  	[tilespmem:$0xE7A0] =	vst v4  }
0x5c: {  	_ =	swait.ge [sflag:s15], $0x3200  }
0x5d: {  	[sflag:s15] =	ssyncset.done $0x0  }
0x5e: {  	s21 =	simm.s32 $0x0;
	[sflag:s15] =	ssyncadd.s32 $0xFFFFCE00  }
0x5f: {  	v1 =	vld [tilespmem:s21+$0x9630]  }
0x60: {  	v2 =	vld [tilespmem:s21+$0x9600]  }
0x61: {  	v5 =	vimm.f32 $0.0e+00;
	v3 =	vld [tilespmem:s21+$0x9610]  }
0x62: {  	s20 =	simm.s32 $0x100;
	v0 =	vimm.f32 $0.0e+00;
	v6 =	vimm.f32 $0.0e+00;
	v7 =	vimm.f32 $0.0e+00;
	v4 =	vld [tilespmem:s21+$0x9620]  }
.LBB2_10:
0x63: {  	p0 =	sne.s32 s20, $0xC700  }
.Ltmp4:
0x64: {  	s21 =	sshra.s32 s20, $0x2;
	s20 =	sadd.s32 $0x100, s20;
	v0 =	vadd.f32 v1, v0;
	(pc) =	sbr.rel @p0 .LBB2_10-.Ltmp4, $4  }
0x65: {  	v1 =	vld [tilespmem:s21+$0x9630];
	v5 =	vadd.f32 v2, v5  }
0x66: {  	v2 =	vld [tilespmem:s21+$0x9600];
	v6 =	vadd.f32 v3, v6  }
0x67: {  	v3 =	vld [tilespmem:s21+$0x9610];
	v7 =	vadd.f32 v4, v7  }
0x68: {  	v4 =	vld [tilespmem:s21+$0x9620]  }
0x69: {  	_ = 	snop  }
0x6a: {  	v0 =	vadd.f32 v1, v0  }
0x6b: {  	v2 =	vadd.f32 v2, v5  }
0x6c: {  	v3 =	vadd.f32 v3, v6;
	[tilespmem:$0xE7F0] =	vst v0  }
0x6d: {  	s19 =	sadd.s32 $0x1, s19;
	v4 =	vadd.f32 v4, v7;
	[tilespmem:$0xE7C0] =	vst v2  }
0x6e: {  	p0 =	sne.s32 s19, s6;
	[tilespmem:$0xE7D0] =	vst v3  }
.Ltmp5:
0x6f: {  	[tilespmem:$0xE7E0] =	vst v4;
	(pc) =	sbr.rel @p0 .LBB2_1-.Ltmp5, $4  }
0x70: {  	[hbm4b:s5+s2] =	stream.linear.scatter [tilespmem:s18], [sflag:$0x3], $0x2000, $0x38;
	[tilespmem:$0xE800] =	vst v63  }
0x71: {  	_ =	swait.ge [sflag:s7], $0x2000  }
0x72: {  	[sflag:s7] =	ssyncset.done $0x0  }
0x73: {  	[sflag:s7] =	ssyncadd.s32 $0xFFFFE000  }
0x74: {  	_ =	sfence.sel $0x180000  }
0x75: {  	[bflag:$0x0] =	sbarrier.arrive $0xFFFF  }
0x76: {  	p0 =	sne.s32 s0, $0x0;
	_ =	strace $0x90000047  }
0x77: {  	s0 =	sadd.s32 @!p0 $0x100000, s1;
	[bflag:$0x2] =	sbarrier.arrive $0xFFFF  }
0x78: {  	[sflag:s0] =	ssyncadd.tile.s32 @!p0 $0x1;
	_ =	shalt  }
.Lfunc_end2:
_tile_overlayer_lowered:
.L_overlay_start_2:
0x79: {  	(tag) =	ssettag $0x2  }
0x7a: {  	s0 =	rddreg [dreg:$0x0];
	s2 =	stileid.u32  }
0x7b: {  	s1 =	rddreg [dreg:$0x1];
	p0 =	sne.s32 s2, $0x0  }
0x7c: {  	s3 =	rddreg [dreg:$0x2];
	[bflag:$0x3] =	sbarrier.arrive $0xFFFF;
	s2 =	simm.s32 @!p0 $0x1C03  }
0x7d: {  	[timem:s3], [sflag:s2] =	dma.local @!p0 [hbm:s0], s1  }
0x7e: {  	s0 =	simm.s32 @!p0 $0x3  }
0x7f: {  	_ =	swait.ge @!p0 [sflag:s0], s1  }
0x80: {  	s1 =	ssub.s32 @!p0 $0x0, s1;
	[sflag:s0] =	ssyncset.done @!p0 $0x0  }
0x81: {  	[sflag:s0] =	ssyncadd.s32 @!p0 s1  }
0x82: {  	[bflag:$0x3] =	sbarrier.arrive $0xFFFF  }
0x83: {  	_ =	shalt  }

</sc_bundles>
